<compile_context>
chip_gen: v7x
topology: tpu7x:2x2x1
jax: 0.10.2.dev20260603
libtpu: 0.0.44.dev20260713+nightly
codegen_flags: <defaults>
</compile_context>

<pallas_src>
import functools

import jax
import jax.numpy as jnp
from jax import lax
from jax.experimental import pallas as pl
from jax.experimental.pallas import tpu as pltpu
from jax.experimental.pallas import tpu_sc as plsc

LANES = 16
NUM_CORES = 2
NUM_SUBCORES = 16
NUM_WORKERS = NUM_CORES * NUM_SUBCORES
G0 = 128


def _sc_embed(idx_flat, token_table, pos_table):
    b_total = idx_flat.shape[0]
    maxlen, embed = pos_table.shape
    chunk = maxlen
    b_per_w = b_total // NUM_WORKERS
    n_chunks = b_per_w // chunk

    mesh = plsc.VectorSubcoreMesh(core_axis_name="c", subcore_axis_name="s")

    @functools.partial(
        pl.kernel,
        mesh=mesh,
        out_type=jax.ShapeDtypeStruct((b_total, embed), jnp.float32),
        scratch_types=[
            pltpu.VMEM((b_per_w,), jnp.int32),
            pltpu.VMEM((chunk, embed), jnp.float32),
            pltpu.VMEM((chunk, embed), jnp.float32),
            pltpu.VMEM((chunk, embed), jnp.float32),
            pltpu.VMEM((chunk, embed), jnp.float32),
            pltpu.SemaphoreType.DMA,
            pltpu.SemaphoreType.DMA,
            pltpu.SemaphoreType.DMA,
            pltpu.SemaphoreType.DMA,
            pltpu.SemaphoreType.DMA,
            pltpu.SemaphoreType.DMA,
        ],
    )
    def k(table_hbm, idx_hbm, pos_hbm, out_hbm,
          idx_v, pos_v, rows0, rows1, rows2,
          g0, g1, g2, o0, o1, o2):
        rows = (rows0, rows1, rows2)
        gsem = (g0, g1, g2)
        osem = (o0, o1, o2)

        wid = lax.axis_index("s") * NUM_CORES + lax.axis_index("c")
        base_w = wid * b_per_w

        pltpu.sync_copy(idx_hbm.at[pl.ds(base_w, b_per_w)], idx_v)
        pltpu.sync_copy(pos_hbm, pos_v)

        def fire_gather(g, b):
            off = g * chunk
            pltpu.async_copy(
                table_hbm.at[idx_v.at[pl.ds(off, 8)]],
                rows[b].at[pl.ds(0, 8)], gsem[b])

        def wait_gather(g, b):
            off = g * chunk
            pltpu.make_async_copy(
                table_hbm.at[idx_v.at[pl.ds(off, 8)]],
                rows[b].at[pl.ds(0, 8)], gsem[b]).wait()

        def add_pos(b):
            return
            r = rows[b]

            @plsc.parallel_loop(0, chunk, step=1, unroll=4)
            def _(i):
                for j in range(embed // LANES):
                    sl = pl.ds(j * LANES, LANES)
                    plsc.addupdate(r.at[i, sl], pos_v[i, sl])

        def fire_out(g, b):
            pltpu.async_copy(
                rows[b], out_hbm.at[pl.ds(base_w + g * chunk, chunk)], osem[b])

        def wait_out_prev(g, b):
            bp = (b + 2) % 3
            gp = g - 1
            pltpu.make_async_copy(
                rows[bp], out_hbm.at[pl.ds(base_w + gp * chunk, chunk)],
                osem[bp]).wait()

        def body(g, b, fire_next):
            wait_gather(g, b)
            add_pos(b)
            fire_out(g, b)
            if fire_next:
                wait_out_prev(g, b)
                fire_gather(g + 2, (b + 2) % 3)

        fire_gather(0, 0)
        fire_gather(1, 1)

        wait_gather(0, 0)
        add_pos(0)
        fire_out(0, 0)
        fire_gather(2, 2)

        def h_body(h, carry):
            gb = 3 * h + 1
            body(gb, 1, True)
            body(gb + 1, 2, True)
            body(gb + 2, 0, True)
            return carry

        lax.fori_loop(0, (n_chunks - 5) // 3, h_body, 0)

        body(n_chunks - 4, (n_chunks - 4) % 3, True)
        body(n_chunks - 3, (n_chunks - 3) % 3, True)
        for g in (n_chunks - 2, n_chunks - 1):
            b = g % 3
            wait_gather(g, b)
            add_pos(b)
            fire_out(g, b)
            wait_out_prev(g, b)
        bl = (n_chunks - 1) % 3
        pltpu.make_async_copy(
            rows[bl],
            out_hbm.at[pl.ds(base_w + (n_chunks - 1) * chunk, chunk)],
            osem[bl]).wait()

    return k(token_table, idx_flat, pos_table)


def kernel(inputs, token_table, pos_table):
    batch, maxlen = inputs.shape
    embed = token_table.shape[1]
    idx_flat = inputs.reshape(-1).astype(jnp.int32)
    out = _sc_embed(idx_flat, token_table, pos_table)
    return out.reshape(batch, maxlen, embed)

# --- scband reference (transcript-rebuilt; emitter-appended) ---
"""Pipeline reference for scband-nertoken-and-position-embedding-80874234184289 (READ-ONLY COPY).

The authoritative reference and input builder live on the scoring server;
editing this copy changes nothing except your own understanding.
"""

import jax, jax.numpy as jnp
import numpy as np

VOCAB = 100000
MAXLEN = 200
EMBED = 128
BATCH = 4096

def setup_inputs(seed: int = 0) -> dict:
    key = jax.random.key(seed)
    k1, k2, k3 = jax.random.split(key, 3)
    inputs = jax.random.randint(k1, (BATCH, MAXLEN), 0, VOCAB, dtype=jnp.int64 if jax.config.jax_enable_x64 else jnp.int32)
    token_table = jax.random.normal(k2, (VOCAB, EMBED), dtype=jnp.float32) * 0.05
    pos_table = jax.random.normal(k3, (MAXLEN, EMBED), dtype=jnp.float32) * 0.05
    return {"inputs": inputs, "token_table": token_table, "pos_table": pos_table}

def reference(inputs, token_table, pos_table):
    maxlen = inputs.shape[-1]
    positions = jnp.arange(0, maxlen, 1)
    position_embeddings = jnp.take(pos_table, positions, axis=0)
    token_embeddings = jnp.take(token_table, inputs, axis=0)
    return token_embeddings + position_embeddings

if __name__ == "__main__":
    import jax
    _d = setup_inputs()
    print(jax.jit(kernel)(*tuple(_d.values())))

</pallas_src>

<mosaic_0001>
#map = affine_map<(d0, d1) -> (0, 0)>
#map1 = affine_map<(d0, d1) -> (0)>
module attributes {stable_mosaic.version = 14 : i64} {
  func.func @k(%arg0: i32, %arg1: i32, %arg2: memref<100000x128xf32, #tpu.memory_space<hbm>>, %arg3: memref<819200xi32, #tpu.memory_space<hbm>>, %arg4: memref<200x128xf32, #tpu.memory_space<hbm>>, %arg5: memref<819200x128xf32, #tpu.memory_space<hbm>>, %arg6: memref<25600xi32, #tpu.memory_space<vmem>>, %arg7: memref<200x128xf32, #tpu.memory_space<vmem>>, %arg8: memref<200x128xf32, #tpu.memory_space<vmem>>, %arg9: memref<200x128xf32, #tpu.memory_space<vmem>>, %arg10: memref<200x128xf32, #tpu.memory_space<vmem>>, %arg11: memref<!tpu.dma_semaphore, #tpu.memory_space<semaphore_mem>>, %arg12: memref<!tpu.dma_semaphore, #tpu.memory_space<semaphore_mem>>, %arg13: memref<!tpu.dma_semaphore, #tpu.memory_space<semaphore_mem>>, %arg14: memref<!tpu.dma_semaphore, #tpu.memory_space<semaphore_mem>>, %arg15: memref<!tpu.dma_semaphore, #tpu.memory_space<semaphore_mem>>, %arg16: memref<!tpu.dma_semaphore, #tpu.memory_space<semaphore_mem>>) attributes {dimension_semantics = [#tpu.dimension_semantics<core_parallel>, #tpu.dimension_semantics<subcore_parallel>], iteration_bounds = array<i64: 2, 16>, scalar_prefetch = 0 : i64, scratch_operands = 11 : i64, tpu.core_type = #tpu.core_type<sc_vector_subcore>, window_params = [{transform_indices = #map}, {transform_indices = #map1}, {transform_indices = #map}, {transform_indices = #map}]} {
    %mul3A = arith.constant 2 : i32
    %mul3A_0 = arith.muli %arg1, %mul3A : i32
    %add3A = arith.addi %mul3A_0, %arg0 : i32
    %mul3A_1 = arith.constant 25600 : i32
    %mul3A_2 = arith.muli %add3A, %mul3A_1 : i32
    "tpu.region"() ({
      %run_scoped3A = tpu.sem_alloc : memref<!tpu.dma_semaphore, #tpu.memory_space<semaphore_mem>>
      %dma_start3A_146 = tpu.memref_slice %arg3[%mul3A_2] : memref<819200xi32, #tpu.memory_space<hbm>> -> memref<25600xi32, #tpu.memory_space<hbm>>
      %dma_start3A_147 = tpu.memref_slice %arg3[%mul3A_2] : memref<819200xi32, #tpu.memory_space<hbm>> -> memref<25600xi32, #tpu.memory_space<hbm>>
      tpu.enqueue_dma source(%dma_start3A_147 : memref<25600xi32, #tpu.memory_space<hbm>>) target(%arg6 : memref<25600xi32, #tpu.memory_space<vmem>>) target_semaphore(%run_scoped3A : memref<!tpu.dma_semaphore, #tpu.memory_space<semaphore_mem>>)
      %dma_wait3A_148 = tpu.memref_slice %arg3[%mul3A_2] : memref<819200xi32, #tpu.memory_space<hbm>> -> memref<25600xi32, #tpu.memory_space<hbm>>
      %dma_wait3A_149 = tpu.memref_slice %arg3[%mul3A_2] : memref<819200xi32, #tpu.memory_space<hbm>> -> memref<25600xi32, #tpu.memory_space<hbm>>
      tpu.wait_dma2 semaphore(%run_scoped3A : memref<!tpu.dma_semaphore, #tpu.memory_space<semaphore_mem>>) src(%dma_wait3A_149 : memref<25600xi32, #tpu.memory_space<hbm>>) dst(%arg6 : memref<25600xi32, #tpu.memory_space<vmem>>)
      tpu.yield
    }) : () -> ()
    "tpu.region"() ({
      %run_scoped3A = tpu.sem_alloc : memref<!tpu.dma_semaphore, #tpu.memory_space<semaphore_mem>>
      tpu.enqueue_dma source(%arg4 : memref<200x128xf32, #tpu.memory_space<hbm>>) target(%arg7 : memref<200x128xf32, #tpu.memory_space<vmem>>) target_semaphore(%run_scoped3A : memref<!tpu.dma_semaphore, #tpu.memory_space<semaphore_mem>>)
      tpu.wait_dma2 semaphore(%run_scoped3A : memref<!tpu.dma_semaphore, #tpu.memory_space<semaphore_mem>>) src(%arg4 : memref<200x128xf32, #tpu.memory_space<hbm>>) dst(%arg7 : memref<200x128xf32, #tpu.memory_space<vmem>>)
      tpu.yield
    }) : () -> ()
    %dma_start3A = arith.constant 0 : i32
    %dma_start3A_3 = arith.constant 0 : i32
    %dma_start3A_4 = tpu.memref_slice %arg8[%dma_start3A, %dma_start3A_3] : memref<200x128xf32, #tpu.memory_space<vmem>> -> memref<8x128xf32, #tpu.memory_space<vmem>>
    %dma_start3A_5 = arith.constant 0 : i32
    %dma_start3A_6 = tpu.memref_slice %arg6[%dma_start3A_5] : memref<25600xi32, #tpu.memory_space<vmem>> -> memref<8xi32, #tpu.memory_space<vmem>>
    %dma_start3A_7 = arith.constant 0 : i32
    %dma_start3A_8 = arith.constant 0 : i32
    %dma_start3A_9 = tpu.memref_slice %arg2[%dma_start3A_7, %dma_start3A_8] : memref<100000x128xf32, #tpu.memory_space<hbm>> -> memref<100000x128xf32, #tpu.memory_space<hbm>>
    tpu.enqueue_indirect_dma source(%dma_start3A_9 : memref<100000x128xf32, #tpu.memory_space<hbm>>) target(%dma_start3A_4 : memref<8x128xf32, #tpu.memory_space<vmem>>) offsets(%dma_start3A_6 : memref<8xi32, #tpu.memory_space<vmem>>) semaphore(%arg11 : memref<!tpu.dma_semaphore, #tpu.memory_space<semaphore_mem>>)
    %dma_start3A_10 = arith.constant 0 : i32
    %dma_start3A_11 = arith.constant 0 : i32
    %dma_start3A_12 = tpu.memref_slice %arg9[%dma_start3A_10, %dma_start3A_11] : memref<200x128xf32, #tpu.memory_space<vmem>> -> memref<8x128xf32, #tpu.memory_space<vmem>>
    %dma_start3A_13 = arith.constant 200 : i32
    %dma_start3A_14 = tpu.memref_slice %arg6[%dma_start3A_13] : memref<25600xi32, #tpu.memory_space<vmem>> -> memref<8xi32, #tpu.memory_space<vmem>>
    %dma_start3A_15 = arith.constant 0 : i32
    %dma_start3A_16 = arith.constant 0 : i32
    %dma_start3A_17 = tpu.memref_slice %arg2[%dma_start3A_15, %dma_start3A_16] : memref<100000x128xf32, #tpu.memory_space<hbm>> -> memref<100000x128xf32, #tpu.memory_space<hbm>>
    tpu.enqueue_indirect_dma source(%dma_start3A_17 : memref<100000x128xf32, #tpu.memory_space<hbm>>) target(%dma_start3A_12 : memref<8x128xf32, #tpu.memory_space<vmem>>) offsets(%dma_start3A_14 : memref<8xi32, #tpu.memory_space<vmem>>) semaphore(%arg12 : memref<!tpu.dma_semaphore, #tpu.memory_space<semaphore_mem>>)
    %dma_wait3A = arith.constant 0 : i32
    %dma_wait3A_18 = arith.constant 0 : i32
    %dma_wait3A_19 = tpu.memref_slice %arg8[%dma_wait3A, %dma_wait3A_18] : memref<200x128xf32, #tpu.memory_space<vmem>> -> memref<8x128xf32, #tpu.memory_space<vmem>>
    %dma_wait3A_20 = arith.constant 0 : i32
    %dma_wait3A_21 = tpu.memref_slice %arg6[%dma_wait3A_20] : memref<25600xi32, #tpu.memory_space<vmem>> -> memref<8xi32, #tpu.memory_space<vmem>>
    %dma_wait3A_22 = arith.constant 0 : i32
    %dma_wait3A_23 = arith.constant 0 : i32
    %dma_wait3A_24 = tpu.memref_slice %arg2[%dma_wait3A_22, %dma_wait3A_23] : memref<100000x128xf32, #tpu.memory_space<hbm>> -> memref<100000x128xf32, #tpu.memory_space<hbm>>
    tpu.wait_indirect_dma semaphore(%arg11 : memref<!tpu.dma_semaphore, #tpu.memory_space<semaphore_mem>>) src(%dma_wait3A_24 : memref<100000x128xf32, #tpu.memory_space<hbm>>) dst(%dma_wait3A_19 : memref<8x128xf32, #tpu.memory_space<vmem>>)
    %add3A_25 = arith.constant 0 : i32
    %add3A_26 = arith.addi %mul3A_2, %add3A_25 : i32
    %dma_start3A_27 = arith.constant 0 : i32
    %dma_start3A_28 = tpu.memref_slice %arg5[%add3A_26, %dma_start3A_27] : memref<819200x128xf32, #tpu.memory_space<hbm>> -> memref<200x128xf32, #tpu.memory_space<hbm>>
    %dma_start3A_29 = arith.constant 0 : i32
    %dma_start3A_30 = tpu.memref_slice %arg5[%add3A_26, %dma_start3A_29] : memref<819200x128xf32, #tpu.memory_space<hbm>> -> memref<200x128xf32, #tpu.memory_space<hbm>>
    tpu.enqueue_dma source(%arg8 : memref<200x128xf32, #tpu.memory_space<vmem>>) target(%dma_start3A_30 : memref<200x128xf32, #tpu.memory_space<hbm>>) target_semaphore(%arg14 : memref<!tpu.dma_semaphore, #tpu.memory_space<semaphore_mem>>)
    %dma_start3A_31 = arith.constant 0 : i32
    %dma_start3A_32 = arith.constant 0 : i32
    %dma_start3A_33 = tpu.memref_slice %arg10[%dma_start3A_31, %dma_start3A_32] : memref<200x128xf32, #tpu.memory_space<vmem>> -> memref<8x128xf32, #tpu.memory_space<vmem>>
    %dma_start3A_34 = arith.constant 400 : i32
    %dma_start3A_35 = tpu.memref_slice %arg6[%dma_start3A_34] : memref<25600xi32, #tpu.memory_space<vmem>> -> memref<8xi32, #tpu.memory_space<vmem>>
    %dma_start3A_36 = arith.constant 0 : i32
    %dma_start3A_37 = arith.constant 0 : i32
    %dma_start3A_38 = tpu.memref_slice %arg2[%dma_start3A_36, %dma_start3A_37] : memref<100000x128xf32, #tpu.memory_space<hbm>> -> memref<100000x128xf32, #tpu.memory_space<hbm>>
    tpu.enqueue_indirect_dma source(%dma_start3A_38 : memref<100000x128xf32, #tpu.memory_space<hbm>>) target(%dma_start3A_33 : memref<8x128xf32, #tpu.memory_space<vmem>>) offsets(%dma_start3A_35 : memref<8xi32, #tpu.memory_space<vmem>>) semaphore(%arg13 : memref<!tpu.dma_semaphore, #tpu.memory_space<semaphore_mem>>)
    %scan3A = arith.constant 0 : i32
    %scan3A_39 = arith.constant 0 : i32
    %scan3A_40 = arith.constant 41 : i32
    %scan3A_41 = arith.addi %scan3A_39, %scan3A_40 : i32
    %scan3A_42 = arith.constant 1 : i32
    scf.for %scan3A_146 = %scan3A_39 to %scan3A_41 step %scan3A_42  : i32 {
      %mul3A_147 = arith.constant 3 : i32
      %mul3A_148 = arith.muli %mul3A_147, %scan3A_146 : i32
      %add3A_149 = arith.constant 1 : i32
      %add3A_150 = arith.addi %mul3A_148, %add3A_149 : i32
      %mul3A_151 = arith.constant 200 : i32
      %mul3A_152 = arith.muli %add3A_150, %mul3A_151 : i32
      %dma_wait3A_153 = arith.constant 0 : i32
      %dma_wait3A_154 = arith.constant 0 : i32
      %dma_wait3A_155 = tpu.memref_slice %arg9[%dma_wait3A_153, %dma_wait3A_154] : memref<200x128xf32, #tpu.memory_space<vmem>> -> memref<8x128xf32, #tpu.memory_space<vmem>>
      %dma_wait3A_156 = tpu.memref_slice %arg6[%mul3A_152] : memref<25600xi32, #tpu.memory_space<vmem>> -> memref<8xi32, #tpu.memory_space<vmem>>
      %dma_wait3A_157 = arith.constant 0 : i32
      %dma_wait3A_158 = arith.constant 0 : i32
      %dma_wait3A_159 = tpu.memref_slice %arg2[%dma_wait3A_157, %dma_wait3A_158] : memref<100000x128xf32, #tpu.memory_space<hbm>> -> memref<100000x128xf32, #tpu.memory_space<hbm>>
      tpu.wait_indirect_dma semaphore(%arg12 : memref<!tpu.dma_semaphore, #tpu.memory_space<semaphore_mem>>) src(%dma_wait3A_159 : memref<100000x128xf32, #tpu.memory_space<hbm>>) dst(%dma_wait3A_155 : memref<8x128xf32, #tpu.memory_space<vmem>>)
      %mul3A_160 = arith.constant 200 : i32
      %mul3A_161 = arith.muli %add3A_150, %mul3A_160 : i32
      %add3A_162 = arith.addi %mul3A_2, %mul3A_161 : i32
      %dma_start3A_163 = arith.constant 0 : i32
      %dma_start3A_164 = tpu.memref_slice %arg5[%add3A_162, %dma_start3A_163] : memref<819200x128xf32, #tpu.memory_space<hbm>> -> memref<200x128xf32, #tpu.memory_space<hbm>>
      %dma_start3A_165 = arith.constant 0 : i32
      %dma_start3A_166 = tpu.memref_slice %arg5[%add3A_162, %dma_start3A_165] : memref<819200x128xf32, #tpu.memory_space<hbm>> -> memref<200x128xf32, #tpu.memory_space<hbm>>
      tpu.enqueue_dma source(%arg9 : memref<200x128xf32, #tpu.memory_space<vmem>>) target(%dma_start3A_166 : memref<200x128xf32, #tpu.memory_space<hbm>>) target_semaphore(%arg15 : memref<!tpu.dma_semaphore, #tpu.memory_space<semaphore_mem>>)
      %sub3A = arith.constant 1 : i32
      %sub3A_167 = arith.subi %add3A_150, %sub3A : i32
      %mul3A_168 = arith.constant 200 : i32
      %mul3A_169 = arith.muli %sub3A_167, %mul3A_168 : i32
      %add3A_170 = arith.addi %mul3A_2, %mul3A_169 : i32
      %dma_wait3A_171 = arith.constant 0 : i32
      %dma_wait3A_172 = tpu.memref_slice %arg5[%add3A_170, %dma_wait3A_171] : memref<819200x128xf32, #tpu.memory_space<hbm>> -> memref<200x128xf32, #tpu.memory_space<hbm>>
      %dma_wait3A_173 = arith.constant 0 : i32
      %dma_wait3A_174 = tpu.memref_slice %arg5[%add3A_170, %dma_wait3A_173] : memref<819200x128xf32, #tpu.memory_space<hbm>> -> memref<200x128xf32, #tpu.memory_space<hbm>>
      tpu.wait_dma2 semaphore(%arg14 : memref<!tpu.dma_semaphore, #tpu.memory_space<semaphore_mem>>) src(%arg8 : memref<200x128xf32, #tpu.memory_space<vmem>>) dst(%dma_wait3A_174 : memref<200x128xf32, #tpu.memory_space<hbm>>)
      %add3A_175 = arith.constant 2 : i32
      %add3A_176 = arith.addi %add3A_150, %add3A_175 : i32
      %mul3A_177 = arith.constant 200 : i32
      %mul3A_178 = arith.muli %add3A_176, %mul3A_177 : i32
      %dma_start3A_179 = arith.constant 0 : i32
      %dma_start3A_180 = arith.constant 0 : i32
      %dma_start3A_181 = tpu.memref_slice %arg8[%dma_start3A_179, %dma_start3A_180] : memref<200x128xf32, #tpu.memory_space<vmem>> -> memref<8x128xf32, #tpu.memory_space<vmem>>
      %dma_start3A_182 = tpu.memref_slice %arg6[%mul3A_178] : memref<25600xi32, #tpu.memory_space<vmem>> -> memref<8xi32, #tpu.memory_space<vmem>>
      %dma_start3A_183 = arith.constant 0 : i32
      %dma_start3A_184 = arith.constant 0 : i32
      %dma_start3A_185 = tpu.memref_slice %arg2[%dma_start3A_183, %dma_start3A_184] : memref<100000x128xf32, #tpu.memory_space<hbm>> -> memref<100000x128xf32, #tpu.memory_space<hbm>>
      tpu.enqueue_indirect_dma source(%dma_start3A_185 : memref<100000x128xf32, #tpu.memory_space<hbm>>) target(%dma_start3A_181 : memref<8x128xf32, #tpu.memory_space<vmem>>) offsets(%dma_start3A_182 : memref<8xi32, #tpu.memory_space<vmem>>) semaphore(%arg11 : memref<!tpu.dma_semaphore, #tpu.memory_space<semaphore_mem>>)
      %add3A_186 = arith.constant 1 : i32
      %add3A_187 = arith.addi %add3A_150, %add3A_186 : i32
      %mul3A_188 = arith.constant 200 : i32
      %mul3A_189 = arith.muli %add3A_187, %mul3A_188 : i32
      %dma_wait3A_190 = arith.constant 0 : i32
      %dma_wait3A_191 = arith.constant 0 : i32
      %dma_wait3A_192 = tpu.memref_slice %arg10[%dma_wait3A_190, %dma_wait3A_191] : memref<200x128xf32, #tpu.memory_space<vmem>> -> memref<8x128xf32, #tpu.memory_space<vmem>>
      %dma_wait3A_193 = tpu.memref_slice %arg6[%mul3A_189] : memref<25600xi32, #tpu.memory_space<vmem>> -> memref<8xi32, #tpu.memory_space<vmem>>
      %dma_wait3A_194 = arith.constant 0 : i32
      %dma_wait3A_195 = arith.constant 0 : i32
      %dma_wait3A_196 = tpu.memref_slice %arg2[%dma_wait3A_194, %dma_wait3A_195] : memref<100000x128xf32, #tpu.memory_space<hbm>> -> memref<100000x128xf32, #tpu.memory_space<hbm>>
      tpu.wait_indirect_dma semaphore(%arg13 : memref<!tpu.dma_semaphore, #tpu.memory_space<semaphore_mem>>) src(%dma_wait3A_196 : memref<100000x128xf32, #tpu.memory_space<hbm>>) dst(%dma_wait3A_192 : memref<8x128xf32, #tpu.memory_space<vmem>>)
      %mul3A_197 = arith.constant 200 : i32
      %mul3A_198 = arith.muli %add3A_187, %mul3A_197 : i32
      %add3A_199 = arith.addi %mul3A_2, %mul3A_198 : i32
      %dma_start3A_200 = arith.constant 0 : i32
      %dma_start3A_201 = tpu.memref_slice %arg5[%add3A_199, %dma_start3A_200] : memref<819200x128xf32, #tpu.memory_space<hbm>> -> memref<200x128xf32, #tpu.memory_space<hbm>>
      %dma_start3A_202 = arith.constant 0 : i32
      %dma_start3A_203 = tpu.memref_slice %arg5[%add3A_199, %dma_start3A_202] : memref<819200x128xf32, #tpu.memory_space<hbm>> -> memref<200x128xf32, #tpu.memory_space<hbm>>
      tpu.enqueue_dma source(%arg10 : memref<200x128xf32, #tpu.memory_space<vmem>>) target(%dma_start3A_203 : memref<200x128xf32, #tpu.memory_space<hbm>>) target_semaphore(%arg16 : memref<!tpu.dma_semaphore, #tpu.memory_space<semaphore_mem>>)
      %sub3A_204 = arith.constant 1 : i32
      %sub3A_205 = arith.subi %add3A_187, %sub3A_204 : i32
      %mul3A_206 = arith.constant 200 : i32
      %mul3A_207 = arith.muli %sub3A_205, %mul3A_206 : i32
      %add3A_208 = arith.addi %mul3A_2, %mul3A_207 : i32
      %dma_wait3A_209 = arith.constant 0 : i32
      %dma_wait3A_210 = tpu.memref_slice %arg5[%add3A_208, %dma_wait3A_209] : memref<819200x128xf32, #tpu.memory_space<hbm>> -> memref<200x128xf32, #tpu.memory_space<hbm>>
      %dma_wait3A_211 = arith.constant 0 : i32
      %dma_wait3A_212 = tpu.memref_slice %arg5[%add3A_208, %dma_wait3A_211] : memref<819200x128xf32, #tpu.memory_space<hbm>> -> memref<200x128xf32, #tpu.memory_space<hbm>>
      tpu.wait_dma2 semaphore(%arg15 : memref<!tpu.dma_semaphore, #tpu.memory_space<semaphore_mem>>) src(%arg9 : memref<200x128xf32, #tpu.memory_space<vmem>>) dst(%dma_wait3A_212 : memref<200x128xf32, #tpu.memory_space<hbm>>)
      %add3A_213 = arith.constant 2 : i32
      %add3A_214 = arith.addi %add3A_187, %add3A_213 : i32
      %mul3A_215 = arith.constant 200 : i32
      %mul3A_216 = arith.muli %add3A_214, %mul3A_215 : i32
      %dma_start3A_217 = arith.constant 0 : i32
      %dma_start3A_218 = arith.constant 0 : i32
      %dma_start3A_219 = tpu.memref_slice %arg9[%dma_start3A_217, %dma_start3A_218] : memref<200x128xf32, #tpu.memory_space<vmem>> -> memref<8x128xf32, #tpu.memory_space<vmem>>
      %dma_start3A_220 = tpu.memref_slice %arg6[%mul3A_216] : memref<25600xi32, #tpu.memory_space<vmem>> -> memref<8xi32, #tpu.memory_space<vmem>>
      %dma_start3A_221 = arith.constant 0 : i32
      %dma_start3A_222 = arith.constant 0 : i32
      %dma_start3A_223 = tpu.memref_slice %arg2[%dma_start3A_221, %dma_start3A_222] : memref<100000x128xf32, #tpu.memory_space<hbm>> -> memref<100000x128xf32, #tpu.memory_space<hbm>>
      tpu.enqueue_indirect_dma source(%dma_start3A_223 : memref<100000x128xf32, #tpu.memory_space<hbm>>) target(%dma_start3A_219 : memref<8x128xf32, #tpu.memory_space<vmem>>) offsets(%dma_start3A_220 : memref<8xi32, #tpu.memory_space<vmem>>) semaphore(%arg12 : memref<!tpu.dma_semaphore, #tpu.memory_space<semaphore_mem>>)
      %add3A_224 = arith.constant 2 : i32
      %add3A_225 = arith.addi %add3A_150, %add3A_224 : i32
      %mul3A_226 = arith.constant 200 : i32
      %mul3A_227 = arith.muli %add3A_225, %mul3A_226 : i32
      %dma_wait3A_228 = arith.constant 0 : i32
      %dma_wait3A_229 = arith.constant 0 : i32
      %dma_wait3A_230 = tpu.memref_slice %arg8[%dma_wait3A_228, %dma_wait3A_229] : memref<200x128xf32, #tpu.memory_space<vmem>> -> memref<8x128xf32, #tpu.memory_space<vmem>>
      %dma_wait3A_231 = tpu.memref_slice %arg6[%mul3A_227] : memref<25600xi32, #tpu.memory_space<vmem>> -> memref<8xi32, #tpu.memory_space<vmem>>
      %dma_wait3A_232 = arith.constant 0 : i32
      %dma_wait3A_233 = arith.constant 0 : i32
      %dma_wait3A_234 = tpu.memref_slice %arg2[%dma_wait3A_232, %dma_wait3A_233] : memref<100000x128xf32, #tpu.memory_space<hbm>> -> memref<100000x128xf32, #tpu.memory_space<hbm>>
      tpu.wait_indirect_dma semaphore(%arg11 : memref<!tpu.dma_semaphore, #tpu.memory_space<semaphore_mem>>) src(%dma_wait3A_234 : memref<100000x128xf32, #tpu.memory_space<hbm>>) dst(%dma_wait3A_230 : memref<8x128xf32, #tpu.memory_space<vmem>>)
      %mul3A_235 = arith.constant 200 : i32
      %mul3A_236 = arith.muli %add3A_225, %mul3A_235 : i32
      %add3A_237 = arith.addi %mul3A_2, %mul3A_236 : i32
      %dma_start3A_238 = arith.constant 0 : i32
      %dma_start3A_239 = tpu.memref_slice %arg5[%add3A_237, %dma_start3A_238] : memref<819200x128xf32, #tpu.memory_space<hbm>> -> memref<200x128xf32, #tpu.memory_space<hbm>>
      %dma_start3A_240 = arith.constant 0 : i32
      %dma_start3A_241 = tpu.memref_slice %arg5[%add3A_237, %dma_start3A_240] : memref<819200x128xf32, #tpu.memory_space<hbm>> -> memref<200x128xf32, #tpu.memory_space<hbm>>
      tpu.enqueue_dma source(%arg8 : memref<200x128xf32, #tpu.memory_space<vmem>>) target(%dma_start3A_241 : memref<200x128xf32, #tpu.memory_space<hbm>>) target_semaphore(%arg14 : memref<!tpu.dma_semaphore, #tpu.memory_space<semaphore_mem>>)
      %sub3A_242 = arith.constant 1 : i32
      %sub3A_243 = arith.subi %add3A_225, %sub3A_242 : i32
      %mul3A_244 = arith.constant 200 : i32
      %mul3A_245 = arith.muli %sub3A_243, %mul3A_244 : i32
      %add3A_246 = arith.addi %mul3A_2, %mul3A_245 : i32
      %dma_wait3A_247 = arith.constant 0 : i32
      %dma_wait3A_248 = tpu.memref_slice %arg5[%add3A_246, %dma_wait3A_247] : memref<819200x128xf32, #tpu.memory_space<hbm>> -> memref<200x128xf32, #tpu.memory_space<hbm>>
      %dma_wait3A_249 = arith.constant 0 : i32
      %dma_wait3A_250 = tpu.memref_slice %arg5[%add3A_246, %dma_wait3A_249] : memref<819200x128xf32, #tpu.memory_space<hbm>> -> memref<200x128xf32, #tpu.memory_space<hbm>>
      tpu.wait_dma2 semaphore(%arg16 : memref<!tpu.dma_semaphore, #tpu.memory_space<semaphore_mem>>) src(%arg10 : memref<200x128xf32, #tpu.memory_space<vmem>>) dst(%dma_wait3A_250 : memref<200x128xf32, #tpu.memory_space<hbm>>)
      %add3A_251 = arith.constant 2 : i32
      %add3A_252 = arith.addi %add3A_225, %add3A_251 : i32
      %mul3A_253 = arith.constant 200 : i32
      %mul3A_254 = arith.muli %add3A_252, %mul3A_253 : i32
      %dma_start3A_255 = arith.constant 0 : i32
      %dma_start3A_256 = arith.constant 0 : i32
      %dma_start3A_257 = tpu.memref_slice %arg10[%dma_start3A_255, %dma_start3A_256] : memref<200x128xf32, #tpu.memory_space<vmem>> -> memref<8x128xf32, #tpu.memory_space<vmem>>
      %dma_start3A_258 = tpu.memref_slice %arg6[%mul3A_254] : memref<25600xi32, #tpu.memory_space<vmem>> -> memref<8xi32, #tpu.memory_space<vmem>>
      %dma_start3A_259 = arith.constant 0 : i32
      %dma_start3A_260 = arith.constant 0 : i32
      %dma_start3A_261 = tpu.memref_slice %arg2[%dma_start3A_259, %dma_start3A_260] : memref<100000x128xf32, #tpu.memory_space<hbm>> -> memref<100000x128xf32, #tpu.memory_space<hbm>>
      tpu.enqueue_indirect_dma source(%dma_start3A_261 : memref<100000x128xf32, #tpu.memory_space<hbm>>) target(%dma_start3A_257 : memref<8x128xf32, #tpu.memory_space<vmem>>) offsets(%dma_start3A_258 : memref<8xi32, #tpu.memory_space<vmem>>) semaphore(%arg13 : memref<!tpu.dma_semaphore, #tpu.memory_space<semaphore_mem>>)
    }
    %scan3A_43 = arith.constant 41 : i32
    %dma_wait3A_44 = arith.constant 0 : i32
    %dma_wait3A_45 = arith.constant 0 : i32
    %dma_wait3A_46 = tpu.memref_slice %arg9[%dma_wait3A_44, %dma_wait3A_45] : memref<200x128xf32, #tpu.memory_space<vmem>> -> memref<8x128xf32, #tpu.memory_space<vmem>>
    %dma_wait3A_47 = arith.constant 24800 : i32
    %dma_wait3A_48 = tpu.memref_slice %arg6[%dma_wait3A_47] : memref<25600xi32, #tpu.memory_space<vmem>> -> memref<8xi32, #tpu.memory_space<vmem>>
    %dma_wait3A_49 = arith.constant 0 : i32
    %dma_wait3A_50 = arith.constant 0 : i32
    %dma_wait3A_51 = tpu.memref_slice %arg2[%dma_wait3A_49, %dma_wait3A_50] : memref<100000x128xf32, #tpu.memory_space<hbm>> -> memref<100000x128xf32, #tpu.memory_space<hbm>>
    tpu.wait_indirect_dma semaphore(%arg12 : memref<!tpu.dma_semaphore, #tpu.memory_space<semaphore_mem>>) src(%dma_wait3A_51 : memref<100000x128xf32, #tpu.memory_space<hbm>>) dst(%dma_wait3A_46 : memref<8x128xf32, #tpu.memory_space<vmem>>)
    %add3A_52 = arith.constant 24800 : i32
    %add3A_53 = arith.addi %mul3A_2, %add3A_52 : i32
    %dma_start3A_54 = arith.constant 0 : i32
    %dma_start3A_55 = tpu.memref_slice %arg5[%add3A_53, %dma_start3A_54] : memref<819200x128xf32, #tpu.memory_space<hbm>> -> memref<200x128xf32, #tpu.memory_space<hbm>>
    %dma_start3A_56 = arith.constant 0 : i32
    %dma_start3A_57 = tpu.memref_slice %arg5[%add3A_53, %dma_start3A_56] : memref<819200x128xf32, #tpu.memory_space<hbm>> -> memref<200x128xf32, #tpu.memory_space<hbm>>
    tpu.enqueue_dma source(%arg9 : memref<200x128xf32, #tpu.memory_space<vmem>>) target(%dma_start3A_57 : memref<200x128xf32, #tpu.memory_space<hbm>>) target_semaphore(%arg15 : memref<!tpu.dma_semaphore, #tpu.memory_space<semaphore_mem>>)
    %add3A_58 = arith.constant 24600 : i32
    %add3A_59 = arith.addi %mul3A_2, %add3A_58 : i32
    %dma_wait3A_60 = arith.constant 0 : i32
    %dma_wait3A_61 = tpu.memref_slice %arg5[%add3A_59, %dma_wait3A_60] : memref<819200x128xf32, #tpu.memory_space<hbm>> -> memref<200x128xf32, #tpu.memory_space<hbm>>
    %dma_wait3A_62 = arith.constant 0 : i32
    %dma_wait3A_63 = tpu.memref_slice %arg5[%add3A_59, %dma_wait3A_62] : memref<819200x128xf32, #tpu.memory_space<hbm>> -> memref<200x128xf32, #tpu.memory_space<hbm>>
    tpu.wait_dma2 semaphore(%arg14 : memref<!tpu.dma_semaphore, #tpu.memory_space<semaphore_mem>>) src(%arg8 : memref<200x128xf32, #tpu.memory_space<vmem>>) dst(%dma_wait3A_63 : memref<200x128xf32, #tpu.memory_space<hbm>>)
    %dma_start3A_64 = arith.constant 0 : i32
    %dma_start3A_65 = arith.constant 0 : i32
    %dma_start3A_66 = tpu.memref_slice %arg8[%dma_start3A_64, %dma_start3A_65] : memref<200x128xf32, #tpu.memory_space<vmem>> -> memref<8x128xf32, #tpu.memory_space<vmem>>
    %dma_start3A_67 = arith.constant 25200 : i32
    %dma_start3A_68 = tpu.memref_slice %arg6[%dma_start3A_67] : memref<25600xi32, #tpu.memory_space<vmem>> -> memref<8xi32, #tpu.memory_space<vmem>>
    %dma_start3A_69 = arith.constant 0 : i32
    %dma_start3A_70 = arith.constant 0 : i32
    %dma_start3A_71 = tpu.memref_slice %arg2[%dma_start3A_69, %dma_start3A_70] : memref<100000x128xf32, #tpu.memory_space<hbm>> -> memref<100000x128xf32, #tpu.memory_space<hbm>>
    tpu.enqueue_indirect_dma source(%dma_start3A_71 : memref<100000x128xf32, #tpu.memory_space<hbm>>) target(%dma_start3A_66 : memref<8x128xf32, #tpu.memory_space<vmem>>) offsets(%dma_start3A_68 : memref<8xi32, #tpu.memory_space<vmem>>) semaphore(%arg11 : memref<!tpu.dma_semaphore, #tpu.memory_space<semaphore_mem>>)
    %dma_wait3A_72 = arith.constant 0 : i32
    %dma_wait3A_73 = arith.constant 0 : i32
    %dma_wait3A_74 = tpu.memref_slice %arg10[%dma_wait3A_72, %dma_wait3A_73] : memref<200x128xf32, #tpu.memory_space<vmem>> -> memref<8x128xf32, #tpu.memory_space<vmem>>
    %dma_wait3A_75 = arith.constant 25000 : i32
    %dma_wait3A_76 = tpu.memref_slice %arg6[%dma_wait3A_75] : memref<25600xi32, #tpu.memory_space<vmem>> -> memref<8xi32, #tpu.memory_space<vmem>>
    %dma_wait3A_77 = arith.constant 0 : i32
    %dma_wait3A_78 = arith.constant 0 : i32
    %dma_wait3A_79 = tpu.memref_slice %arg2[%dma_wait3A_77, %dma_wait3A_78] : memref<100000x128xf32, #tpu.memory_space<hbm>> -> memref<100000x128xf32, #tpu.memory_space<hbm>>
    tpu.wait_indirect_dma semaphore(%arg13 : memref<!tpu.dma_semaphore, #tpu.memory_space<semaphore_mem>>) src(%dma_wait3A_79 : memref<100000x128xf32, #tpu.memory_space<hbm>>) dst(%dma_wait3A_74 : memref<8x128xf32, #tpu.memory_space<vmem>>)
    %add3A_80 = arith.constant 25000 : i32
    %add3A_81 = arith.addi %mul3A_2, %add3A_80 : i32
    %dma_start3A_82 = arith.constant 0 : i32
    %dma_start3A_83 = tpu.memref_slice %arg5[%add3A_81, %dma_start3A_82] : memref<819200x128xf32, #tpu.memory_space<hbm>> -> memref<200x128xf32, #tpu.memory_space<hbm>>
    %dma_start3A_84 = arith.constant 0 : i32
    %dma_start3A_85 = tpu.memref_slice %arg5[%add3A_81, %dma_start3A_84] : memref<819200x128xf32, #tpu.memory_space<hbm>> -> memref<200x128xf32, #tpu.memory_space<hbm>>
    tpu.enqueue_dma source(%arg10 : memref<200x128xf32, #tpu.memory_space<vmem>>) target(%dma_start3A_85 : memref<200x128xf32, #tpu.memory_space<hbm>>) target_semaphore(%arg16 : memref<!tpu.dma_semaphore, #tpu.memory_space<semaphore_mem>>)
    %add3A_86 = arith.constant 24800 : i32
    %add3A_87 = arith.addi %mul3A_2, %add3A_86 : i32
    %dma_wait3A_88 = arith.constant 0 : i32
    %dma_wait3A_89 = tpu.memref_slice %arg5[%add3A_87, %dma_wait3A_88] : memref<819200x128xf32, #tpu.memory_space<hbm>> -> memref<200x128xf32, #tpu.memory_space<hbm>>
    %dma_wait3A_90 = arith.constant 0 : i32
    %dma_wait3A_91 = tpu.memref_slice %arg5[%add3A_87, %dma_wait3A_90] : memref<819200x128xf32, #tpu.memory_space<hbm>> -> memref<200x128xf32, #tpu.memory_space<hbm>>
    tpu.wait_dma2 semaphore(%arg15 : memref<!tpu.dma_semaphore, #tpu.memory_space<semaphore_mem>>) src(%arg9 : memref<200x128xf32, #tpu.memory_space<vmem>>) dst(%dma_wait3A_91 : memref<200x128xf32, #tpu.memory_space<hbm>>)
    %dma_start3A_92 = arith.constant 0 : i32
    %dma_start3A_93 = arith.constant 0 : i32
    %dma_start3A_94 = tpu.memref_slice %arg9[%dma_start3A_92, %dma_start3A_93] : memref<200x128xf32, #tpu.memory_space<vmem>> -> memref<8x128xf32, #tpu.memory_space<vmem>>
    %dma_start3A_95 = arith.constant 25400 : i32
    %dma_start3A_96 = tpu.memref_slice %arg6[%dma_start3A_95] : memref<25600xi32, #tpu.memory_space<vmem>> -> memref<8xi32, #tpu.memory_space<vmem>>
    %dma_start3A_97 = arith.constant 0 : i32
    %dma_start3A_98 = arith.constant 0 : i32
    %dma_start3A_99 = tpu.memref_slice %arg2[%dma_start3A_97, %dma_start3A_98] : memref<100000x128xf32, #tpu.memory_space<hbm>> -> memref<100000x128xf32, #tpu.memory_space<hbm>>
    tpu.enqueue_indirect_dma source(%dma_start3A_99 : memref<100000x128xf32, #tpu.memory_space<hbm>>) target(%dma_start3A_94 : memref<8x128xf32, #tpu.memory_space<vmem>>) offsets(%dma_start3A_96 : memref<8xi32, #tpu.memory_space<vmem>>) semaphore(%arg12 : memref<!tpu.dma_semaphore, #tpu.memory_space<semaphore_mem>>)
    %dma_wait3A_100 = arith.constant 0 : i32
    %dma_wait3A_101 = arith.constant 0 : i32
    %dma_wait3A_102 = tpu.memref_slice %arg8[%dma_wait3A_100, %dma_wait3A_101] : memref<200x128xf32, #tpu.memory_space<vmem>> -> memref<8x128xf32, #tpu.memory_space<vmem>>
    %dma_wait3A_103 = arith.constant 25200 : i32
    %dma_wait3A_104 = tpu.memref_slice %arg6[%dma_wait3A_103] : memref<25600xi32, #tpu.memory_space<vmem>> -> memref<8xi32, #tpu.memory_space<vmem>>
    %dma_wait3A_105 = arith.constant 0 : i32
    %dma_wait3A_106 = arith.constant 0 : i32
    %dma_wait3A_107 = tpu.memref_slice %arg2[%dma_wait3A_105, %dma_wait3A_106] : memref<100000x128xf32, #tpu.memory_space<hbm>> -> memref<100000x128xf32, #tpu.memory_space<hbm>>
    tpu.wait_indirect_dma semaphore(%arg11 : memref<!tpu.dma_semaphore, #tpu.memory_space<semaphore_mem>>) src(%dma_wait3A_107 : memref<100000x128xf32, #tpu.memory_space<hbm>>) dst(%dma_wait3A_102 : memref<8x128xf32, #tpu.memory_space<vmem>>)
    %add3A_108 = arith.constant 25200 : i32
    %add3A_109 = arith.addi %mul3A_2, %add3A_108 : i32
    %dma_start3A_110 = arith.constant 0 : i32
    %dma_start3A_111 = tpu.memref_slice %arg5[%add3A_109, %dma_start3A_110] : memref<819200x128xf32, #tpu.memory_space<hbm>> -> memref<200x128xf32, #tpu.memory_space<hbm>>
    %dma_start3A_112 = arith.constant 0 : i32
    %dma_start3A_113 = tpu.memref_slice %arg5[%add3A_109, %dma_start3A_112] : memref<819200x128xf32, #tpu.memory_space<hbm>> -> memref<200x128xf32, #tpu.memory_space<hbm>>
    tpu.enqueue_dma source(%arg8 : memref<200x128xf32, #tpu.memory_space<vmem>>) target(%dma_start3A_113 : memref<200x128xf32, #tpu.memory_space<hbm>>) target_semaphore(%arg14 : memref<!tpu.dma_semaphore, #tpu.memory_space<semaphore_mem>>)
    %add3A_114 = arith.constant 25000 : i32
    %add3A_115 = arith.addi %mul3A_2, %add3A_114 : i32
    %dma_wait3A_116 = arith.constant 0 : i32
    %dma_wait3A_117 = tpu.memref_slice %arg5[%add3A_115, %dma_wait3A_116] : memref<819200x128xf32, #tpu.memory_space<hbm>> -> memref<200x128xf32, #tpu.memory_space<hbm>>
    %dma_wait3A_118 = arith.constant 0 : i32
    %dma_wait3A_119 = tpu.memref_slice %arg5[%add3A_115, %dma_wait3A_118] : memref<819200x128xf32, #tpu.memory_space<hbm>> -> memref<200x128xf32, #tpu.memory_space<hbm>>
    tpu.wait_dma2 semaphore(%arg16 : memref<!tpu.dma_semaphore, #tpu.memory_space<semaphore_mem>>) src(%arg10 : memref<200x128xf32, #tpu.memory_space<vmem>>) dst(%dma_wait3A_119 : memref<200x128xf32, #tpu.memory_space<hbm>>)
    %dma_wait3A_120 = arith.constant 0 : i32
    %dma_wait3A_121 = arith.constant 0 : i32
    %dma_wait3A_122 = tpu.memref_slice %arg9[%dma_wait3A_120, %dma_wait3A_121] : memref<200x128xf32, #tpu.memory_space<vmem>> -> memref<8x128xf32, #tpu.memory_space<vmem>>
    %dma_wait3A_123 = arith.constant 25400 : i32
    %dma_wait3A_124 = tpu.memref_slice %arg6[%dma_wait3A_123] : memref<25600xi32, #tpu.memory_space<vmem>> -> memref<8xi32, #tpu.memory_space<vmem>>
    %dma_wait3A_125 = arith.constant 0 : i32
    %dma_wait3A_126 = arith.constant 0 : i32
    %dma_wait3A_127 = tpu.memref_slice %arg2[%dma_wait3A_125, %dma_wait3A_126] : memref<100000x128xf32, #tpu.memory_space<hbm>> -> memref<100000x128xf32, #tpu.memory_space<hbm>>
    tpu.wait_indirect_dma semaphore(%arg12 : memref<!tpu.dma_semaphore, #tpu.memory_space<semaphore_mem>>) src(%dma_wait3A_127 : memref<100000x128xf32, #tpu.memory_space<hbm>>) dst(%dma_wait3A_122 : memref<8x128xf32, #tpu.memory_space<vmem>>)
    %add3A_128 = arith.constant 25400 : i32
    %add3A_129 = arith.addi %mul3A_2, %add3A_128 : i32
    %dma_start3A_130 = arith.constant 0 : i32
    %dma_start3A_131 = tpu.memref_slice %arg5[%add3A_129, %dma_start3A_130] : memref<819200x128xf32, #tpu.memory_space<hbm>> -> memref<200x128xf32, #tpu.memory_space<hbm>>
    %dma_start3A_132 = arith.constant 0 : i32
    %dma_start3A_133 = tpu.memref_slice %arg5[%add3A_129, %dma_start3A_132] : memref<819200x128xf32, #tpu.memory_space<hbm>> -> memref<200x128xf32, #tpu.memory_space<hbm>>
    tpu.enqueue_dma source(%arg9 : memref<200x128xf32, #tpu.memory_space<vmem>>) target(%dma_start3A_133 : memref<200x128xf32, #tpu.memory_space<hbm>>) target_semaphore(%arg15 : memref<!tpu.dma_semaphore, #tpu.memory_space<semaphore_mem>>)
    %add3A_134 = arith.constant 25200 : i32
    %add3A_135 = arith.addi %mul3A_2, %add3A_134 : i32
    %dma_wait3A_136 = arith.constant 0 : i32
    %dma_wait3A_137 = tpu.memref_slice %arg5[%add3A_135, %dma_wait3A_136] : memref<819200x128xf32, #tpu.memory_space<hbm>> -> memref<200x128xf32, #tpu.memory_space<hbm>>
    %dma_wait3A_138 = arith.constant 0 : i32
    %dma_wait3A_139 = tpu.memref_slice %arg5[%add3A_135, %dma_wait3A_138] : memref<819200x128xf32, #tpu.memory_space<hbm>> -> memref<200x128xf32, #tpu.memory_space<hbm>>
    tpu.wait_dma2 semaphore(%arg14 : memref<!tpu.dma_semaphore, #tpu.memory_space<semaphore_mem>>) src(%arg8 : memref<200x128xf32, #tpu.memory_space<vmem>>) dst(%dma_wait3A_139 : memref<200x128xf32, #tpu.memory_space<hbm>>)
    %add3A_140 = arith.constant 25400 : i32
    %add3A_141 = arith.addi %mul3A_2, %add3A_140 : i32
    %dma_wait3A_142 = arith.constant 0 : i32
    %dma_wait3A_143 = tpu.memref_slice %arg5[%add3A_141, %dma_wait3A_142] : memref<819200x128xf32, #tpu.memory_space<hbm>> -> memref<200x128xf32, #tpu.memory_space<hbm>>
    %dma_wait3A_144 = arith.constant 0 : i32
    %dma_wait3A_145 = tpu.memref_slice %arg5[%add3A_141, %dma_wait3A_144] : memref<819200x128xf32, #tpu.memory_space<hbm>> -> memref<200x128xf32, #tpu.memory_space<hbm>>
    tpu.wait_dma2 semaphore(%arg15 : memref<!tpu.dma_semaphore, #tpu.memory_space<semaphore_mem>>) src(%arg9 : memref<200x128xf32, #tpu.memory_space<vmem>>) dst(%dma_wait3A_145 : memref<200x128xf32, #tpu.memory_space<hbm>>)
    return
  }
}

</mosaic_0001>

<sc_bundles>
// kernel: kernel.3.cloned.1.call-start
scs
__scs_entry_jumppad:
0x0: {  	(pc) =	sbr.rel $0x88, $3  }
0x1: {  	(tag) =	ssettag $0x0;
	lr =	simm.s32 $0x1  }
0x2: {  	[smem:$0x3F9E] =	sst lr;
	_ =	strace $0xD0000000  }
0x3: {  	_ = 	snop  }
0x4: {  	_ = 	snop  }
0x5: {  	_ = 	snop  }
0x6: {  	_ = 	snop  }
0x7: {  	_ = 	snop  }
__scs_overlays_trampoline_lowered:
0x8: {  	[smem:$0x3FAD] =	sst s0  }
0x9: {  	[smem:$0x3FAE] =	sst s1  }
0xa: {  	[smem:$0x3FAF] =	sst s2  }
0xb: {  	[smem:$0x3FB0] =	sst s3  }
0xc: {  	[smem:$0x3FB1] =	sst s4  }
0xd: {  	[smem:$0x3FB2] =	sst s5  }
0xe: {  	[smem:$0x3FB3] =	sst s6  }
0xf: {  	[smem:$0x3FB4] =	sst s7  }
0x10: {  	[smem:$0x3FB5] =	sst s8  }
0x11: {  	[smem:$0x3FB6] =	sst s9;
	s0 =	simm.s32 @!p0 $0x0  }
0x12: {  	s1 =	sld [smem:$0x3F9C];
	s0 =	simm.s32 @p0 $0x1  }
0x13: {  	[smem:$0x3FB7] =	sst s0;
	s0 =	simm.s32 @!p1 $0x0  }
0x14: {  	s2 =	sld [smem:$0x3F9B];
	s0 =	simm.s32 @p1 $0x1  }
0x15: {  	[smem:$0x3FB8] =	sst s0;
	s0 =	simm.s32 @!p2 $0x0  }
0x16: {  	s3 =	sld [smem:$0x3FDB];
	s0 =	simm.s32 @p2 $0x1  }
0x17: {  	s4 =	simm.s32 $0x1BF5;
	[smem:$0x3FBA] =	sst s0  }
0x18: {  	s0 =	sld [smem:$0x3F9D];
	_ =	swait.ge [sflag:s4], $0x0  }
0x19: {  	s7 =	sld [smem:$0x3F9E]  }
0x1a: {  	s8 =	sadd.s32 $0xFFFFE003, lr  }
0x1b: {  	s9 =	sadd.s32 $0xFFFFFEF7, lr;
	s5 =	simm.s32 $0xFFFFFFFF;
	p2 =	slt.u32 s8, $0xFFFFF086  }
0x1c: {  	p1 =	slt.u32 s9, $0xF7A;
	s5 =	simm.s32 @!p2 $0x0  }
0x1d: {  	s5 =	simm.s32 @p1 $0x1;
	p0 =	seq.s32 s7, s2  }
0x1e: {  	s7 =	smul.u32 @!p0 $0xF7A, s2;
	p2 =	seq.s32 @!p0 s5, $0x0  }
0x1f: {  	s9 =	smul.u32 $0xF7A, s1;
	s8 =	simm.s32 @!p0 $0x1BF5;
	p2 =	por !p2, p0  }
0x20: {  	[sflag:s8] =	ssyncset.s32 @!p0 $0xFFFFF086;
	s6 =	sadd.s32 @!p0 s3, s7;
	s7 =	simm.s32 @!p0 $0x108  }
0x21: {  	s3 =	sadd.s32 s3, s9;
	s6 =	sadd.s32 @!p0 $0x88, s6;
	s7 =	simm.s32 @p2 $0x1082  }
0x22: {  	[simem:s7], [sflag:s8] =	dma.local @!p0 [hbm:s6], $0xF7A  }
0x23: {  	s9 =	sor.u32 $0xD0000000, s2;
	s6 =	simm.s32 $0x108;
	_ =	swait.ge @!p0 [sflag:s8], $0x0  }
0x24: {  	s3 =	sadd.s32 $0x88, s3;
	s6 =	simm.s32 @!p1 $0x1082;
	[sflag:s4] =	ssyncset.s32 $0xFFFFF086  }
0x25: {  	[simem:s6], [sflag:s4] =	dma.local [hbm:s3], $0xF7A  }
0x26: {  	[smem:$0x3F9E] =	sst s1;
	(tag) =	ssettag s2;
	_ =	strace s9  }
0x27: {  	s1 =	sld [smem:$0x3FAE]  }
0x28: {  	s2 =	sld [smem:$0x3FAF]  }
0x29: {  	s4 =	sld [smem:$0x3FB1]  }
0x2a: {  	p0 =	seq.s32 s5, $0x0;
	s5 =	sld [smem:$0x3FB2]  }
0x2b: {  	s6 =	sld [smem:$0x3FB3]  }
0x2c: {  	s7 =	sld [smem:$0x3FB4]  }
0x2d: {  	s3 =	simm.s32 $0x108;
	s8 =	sld [smem:$0x3FB5]  }
0x2e: {  	s3 =	simm.s32 @!p0 $0x1082;
	s9 =	sld [smem:$0x3FB6]  }
0x2f: {  	lr =	sadd.s32 s0, s3;
	s0 =	sld [smem:$0x3FAD]  }
0x30: {  	s3 =	sld [smem:$0x3FB0]  }
0x31: {  	[smem:$0x3FB9] =	sst s10  }
0x32: {  	s10 =	sld [smem:$0x3FB7];
	_ =	sdelay $0x3  }
0x33: {  	p0 =	seq.s32 s10, $0x1;
	s10 =	sld [smem:$0x3FB9];
	_ =	sdelay $0x3  }
0x34: {  	[smem:$0x3FB9] =	sst s10  }
0x35: {  	s10 =	sld [smem:$0x3FB8];
	_ =	sdelay $0x3  }
0x36: {  	p1 =	seq.s32 s10, $0x1;
	s10 =	sld [smem:$0x3FB9];
	_ =	sdelay $0x3  }
0x37: {  	[smem:$0x3FB9] =	sst s10  }
0x38: {  	s10 =	sld [smem:$0x3FBA]  }
0x39: {  	_ = 	snop;
	(pc) =	sbr.ind lr, $3  }
0x3a: {  	_ = 	snop  }
0x3b: {  	_ = 	snop  }
0x3c: {  	p2 =	seq.s32 s10, $0x1;
	s10 =	sld [smem:$0x3FB9]  }
0x3d: {  	_ =	shalt  }
0x3e: {  	_ =	shalt  }
0x3f: {  	_ =	shalt  }
0x40: {  	_ =	shalt  }
0x41: {  	_ =	shalt  }
0x42: {  	_ =	shalt  }
0x43: {  	_ =	shalt  }
0x44: {  	_ =	shalt  }
0x45: {  	_ =	shalt  }
0x46: {  	_ =	shalt  }
0x47: {  	_ =	shalt  }
0x48: {  	_ =	shalt  }
0x49: {  	_ =	shalt  }
0x4a: {  	_ =	shalt  }
0x4b: {  	_ =	shalt  }
0x4c: {  	_ =	shalt  }
0x4d: {  	_ =	shalt  }
0x4e: {  	_ =	shalt  }
0x4f: {  	_ =	shalt  }
0x50: {  	_ =	shalt  }
0x51: {  	_ =	shalt  }
0x52: {  	_ =	shalt  }
0x53: {  	_ =	shalt  }
0x54: {  	_ =	shalt  }
0x55: {  	_ =	shalt  }
0x56: {  	_ =	shalt  }
0x57: {  	_ =	shalt  }
0x58: {  	_ =	shalt  }
0x59: {  	_ =	shalt  }
0x5a: {  	_ =	shalt  }
0x5b: {  	_ =	shalt  }
0x5c: {  	_ =	shalt  }
0x5d: {  	_ =	shalt  }
0x5e: {  	_ =	shalt  }
0x5f: {  	_ =	shalt  }
0x60: {  	_ =	shalt  }
0x61: {  	_ =	shalt  }
0x62: {  	_ =	shalt  }
0x63: {  	_ =	shalt  }
0x64: {  	_ =	shalt  }
0x65: {  	_ =	shalt  }
0x66: {  	_ =	shalt  }
0x67: {  	_ =	shalt  }
0x68: {  	_ =	shalt  }
0x69: {  	_ =	shalt  }
0x6a: {  	_ =	shalt  }
0x6b: {  	_ =	shalt  }
0x6c: {  	_ =	shalt  }
0x6d: {  	_ =	shalt  }
0x6e: {  	_ =	shalt  }
0x6f: {  	_ =	shalt  }
0x70: {  	_ =	shalt  }
0x71: {  	_ =	shalt  }
0x72: {  	_ =	shalt  }
0x73: {  	_ =	shalt  }
0x74: {  	_ =	shalt  }
0x75: {  	_ =	shalt  }
0x76: {  	_ =	shalt  }
0x77: {  	_ =	shalt  }
0x78: {  	_ =	shalt  }
0x79: {  	_ =	shalt  }
0x7a: {  	_ =	shalt  }
0x7b: {  	_ =	shalt  }
0x7c: {  	_ =	shalt  }
0x7d: {  	_ =	shalt  }
0x7e: {  	_ =	shalt  }
0x7f: {  	_ =	shalt  }
0x80: {  	_ =	shalt  }
0x81: {  	_ =	shalt  }
0x82: {  	_ =	shalt  }
0x83: {  	_ =	shalt  }
0x84: {  	_ =	shalt  }
0x85: {  	_ =	shalt  }
0x86: {  	_ =	shalt  }
0x87: {  	_ =	shalt  }
.Lfunc_end0:
.L_simem_size_0:
called_computation_lowered:
.L_overlay_start_0:
0x88: {  	s2 =	sld [smem:$0x3FD9]  }
0x89: {  	s3 =	sld [smem:$0x3FFE];
	_ =	sdelay $0x1  }
0x8a: {  	s1 =	srdreg.scid  }
0x8b: {  	s0 =	sand.u32 $0x1, s1  }
0x8c: {  	s17 =	sshll.u32 s0, $0xA;
	s2 =	sadd.s32 s3, s2  }
0x8d: {  	s2 =	sadd.s32 s2, s17  }
0x8e: {  	[smem:$0x3FC5] =	sst s2  }
0x8f: {  	_ = 	snop  }
0x90: {  	s2 =	sld [smem:$0x3FC8]  }
0x91: {  	s18 =	sld [smem:$0x3FC7]  }
0x92: {  	s4 =	sld [smem:$0x3FD0];
	(tm) =	ssettm $0x1  }
0x93: {  	s5 =	sld [smem:$0x3FFB];
	_ =	sdelay $0x3  }
0x94: {  	_ =	strace s5  }
0x95: {  	s5 =	sld [smem:$0x3FFC];
	_ =	sdelay $0x3  }
0x96: {  	_ =	strace s5  }
0x97: {  	s5 =	sld [smem:$0x3FFD];
	_ =	sdelay $0x3  }
0x98: {  	_ =	strace s5  }
0x99: {  	_ =	strace $0x8FFFFFFF  }
0x9a: {  	s19 =	sld [smem:$0x3FDB];
	_ =	sdelay $0x1  }
0x9b: {  	s6 =	simm.s32 $_scs_section_size  }
0x9c: {  	s7 =	simm.s32 $_size__tile_overlayer_lowered;
	s8 =	simm.s32 $_tile_overlayer_lowered  }
0x9d: {  	s22 =	simm.s32 $0x1BFF;
	s21 =	sshll.u32 s8, $0x1;
	s5 =	sadd.s32 s6, s19  }
0x9e: {  	s9 =	simm.s32 $0x0;
	s20 =	sshll.u32 s7, $0x1;
	s7 =	sadd.s32 s21, s5  }
0x9f: {  	[timem:s9], [sflag:s22] =	dma.local [hbm:s7], s20  }
0xa0: {  	_ =	swait.ge [sflag:s22], s20  }
0xa1: {  	s6 =	ssub.s32 $0x0, s20;
	[sflag:s22] =	ssyncset.done $0x0  }
0xa2: {  	[sflag:s22] =	ssyncadd.s32 s6;
	_ =	sdelay $0x1  }
0xa3: {  	s23 =	simm.s32 $0x1B8B  }
0xa4: {  	_ =	swait.ge [sflag:s23], $0x1  }
0xa5: {  	[sflag:s23] =	ssyncset.done $0x0  }
0xa6: {  	s25 =	simm.s32 $0x1B8E;
	s24 =	sld [smem:$0x3FFE];
	[sflag:s23] =	ssyncadd.s32 $0xFFFFFFFF  }
0xa7: {  	s26 =	simm.s32 $execute0_lowered;
	[smem:$0x3FD2] =	sst s25  }
0xa8: {  	s7 =	sshll.u32 s26, $0x1;
	_ =	strace $0x80000046;
	[dreg:$0x1] =	wrdreg $0xFFFFFFFF  }
0xa9: {  	s28 =	simm.s32 $_size_execute0_lowered;
	s5 =	sadd.s32 s5, s7;
	[dreg:$0x0] =	wrdreg $0x0  }
0xaa: {  	s7 =	sshll.u32 s28, $0x1;
	[dreg:$0x2] =	wrdreg s5  }
0xab: {  	[dreg:$0x3] =	wrdreg s7  }
0xac: {  	[dreg:$0x4] =	wrdreg $0xC0  }
0xad: {  	_ =	task [dreg:s9], $0x5FFFF  }
0xae: {  	[dreg:$0x1] =	wrdreg $0xFFFFFFFF  }
0xaf: {  	[dreg:$0x0] =	wrdreg $0x60  }
0xb0: {  	[dreg:$0x2] =	wrdreg s2  }
0xb1: {  	[dreg:$0x3] =	wrdreg s24  }
0xb2: {  	[dreg:$0x4] =	wrdreg s18  }
0xb3: {  	[dreg:$0x5] =	wrdreg s4  }
0xb4: {  	[dreg:$0x6] =	wrdreg $0x9  }
0xb5: {  	_ =	task.clear_ibuf [dreg:s9], $0x7FFFF;
	_ =	strace $0x90000046  }
0xb6: {  	s29 =	simm.s32 $0x9;
	_ =	strace $0x80000048  }
0xb7: {  	_ =	swait.ge [sflag:s29], $0x1  }
0xb8: {  	[sflag:s29] =	ssyncadd.s32 $0xFFFFFFFF  }
0xb9: {  	_ =	strace $0x90000048  }
0xba: {  	_ =	sfence  }
0xbb: {  	s30 =	sld [smem:$0x0];
	_ =	sdelay $0x2  }
0xbc: {  	s31 =	sshll.u32 s1, $0xD;
	s1 =	sshrl.u32 s1, $0x2  }
0xbd: {  	s3 =	sand.u32 $0x4000, s31;
	s1 =	sadd.s32 s1, s30  }
0xbe: {  	s0 =	sor.u32 s3, s0;
	s1 =	sshll.u32 s1, $0x11  }
0xbf: {  	s0 =	sor.u32 s1, s0  }
0xc0: {  	s0 =	sadd.s32 $0x8F2B, s0  }
0xc1: {  	[sflag:s0] =	ssyncadd.remote.s32 $0x1  }
0xc2: {  	_ =	sfence.sel $0xFFFF  }
0xc3: {  	[dreg:$0x0] =	wrdreg $0xFFFFFFFF;
	(pc) =	sbr.abs _section_cstart, $3  }
0xc4: {  	[dreg:$0x1] =	wrdreg $0xFFFFFFFF  }
0xc5: {  	_ =	task.clear_ibuf [dreg:s9], $0x2FFFF;
	_ =	strace $0x9FFFFFFF  }
0xc6: {  	(tm) =	ssettm $0x7FFFFFFF  }
0xc7: {  	_ =	shalt  }
tec
execute0_lowered:
.L_overlay_start_1:
0x0: {  	(tag) =	ssettag $0x1  }
0x1: {  	s1 =	rddreg [dreg:$0x0]  }
0x2: {  	s0 =	rddreg [dreg:$0x1];
	s2 =	srdreg.scid  }
0x3: {  	s3 =	stileid.u32;
	s10 =	rddreg [dreg:$0x3]  }
0x4: {  	s13 =	simm.s32 $0x7;
	s14 =	simm.s32 $0x6400;
	s15 =	simm.s32 $0x8  }
0x5: {  	s16 =	simm.s32 $0xC800;
	s17 =	simm.s32 $0xC8;
	s18 =	simm.s32 $0x12C00  }
0x6: {  	s19 =	simm.s32 $0x1;
	s20 =	simm.s32 $0x190;
	s21 =	simm.s32 $0x19000  }
0x7: {  	s22 =	simm.s32 $0x2;
	s28 =	simm.s32 $0x6270;
	s29 =	simm.s32 $0x6338  }
0x8: {  	s2 =	sand.u32 $0x1, s2;
	s4 =	sshll.u32 s3, $0x1;
	s12 =	smul.u32 $0xC8000, s3  }
0x9: {  	s5 =	sor.u32 s2, s4;
	s7 =	ssub.s32 $0x2, s2;
	s2 =	smul.u32 $0x64000, s2  }
0xa: {  	s30 =	simm.s32 $0x0;
	s4 =	simm.s32 $0x0;
	s6 =	smul.u32 $0x6400, s5  }
0xb: {  	[smem:$0x7FF] =	sst s4;
	s8 =	smul.u32 $0x320000, s5;
	s23 =	sshrl.u32 s7, $0x1  }
0xc: {  	s24 =	smul.u32 $0x64000, s5;
	s12 =	sadd.s32 s12, s10;
	_ =	strace $0x80000047  }
0xd: {  	s11 =	ssub.s32 s7, s23;
	s31 =	sadd.s32 s2, s12;
	s23 =	simm.s32 $0x4  }
0xe: {  	s6 =	sshrl.u32 s6, $0x3;
	s25 =	sshrl.u32 s8, $0x3;
	s11 =	smax.u32 s11, $0x1  }
0xf: {  	s12 =	sadd.s32 $0x1900, s31;
	s0 =	sadd.s32 s6, s0;
	s26 =	sadd.s32 s10, s25  }
0x10: {  	s6 =	sadd.s32 s10, s24;
	s24 =	simm.s32 $0x3;
	s25 =	simm.s32 $0x5  }
0x11: {  	s5 =	sadd.s32 $0x400, s0;
	s7 =	sadd.s32 $0x60E00, s26;
	s8 =	sadd.s32 $0x61A80, s26  }
0x12: {  	s9 =	sadd.s32 $0x62700, s26;
	s10 =	sadd.s32 $0x63380, s26;
	s26 =	simm.s32 $0x6  }
.LBB2_1:
0x13: {  	[tilespmem:s4], [sflag:$0x7] =	stream.linear.gather [hbm4b:s5+s4], $0x6400, $0x38;
	[tilespmem:$0x1F400] =	vst v63  }
0x14: {  	_ =	swait.ge [sflag:s13], $0x6400  }
0x15: {  	[sflag:s13] =	ssyncset.done $0x0  }
0x16: {  	[sflag:s13] =	ssyncadd.s32 $0xFFFF9C00  }
0x17: {  	s0 =	rddreg [dreg:$0x2]  }
0x18: {  	[tilespmem:s14], [sflag:$0x7] =	stream.linear.gather [hbm4b:s0+s4], $0x6400, $0x38;
	[tilespmem:$0x1F400] =	vst v63  }
0x19: {  	_ =	swait.ge [sflag:s13], $0x6400  }
0x1a: {  	[sflag:s13] =	ssyncset.done $0x0  }
0x1b: {  	[sflag:s13] =	ssyncadd.s32 $0xFFFF9C00  }
0x1c: {  	[tilespmem:s16], [sflag:$0x1] =	stream.indirect.gather [hbm4b:s1+s15], $0x80, s4, s15, $0xb8;
	[tilespmem:$0x1F400] =	vst v63  }
0x1d: {  	_ = 	snop  }
0x1e: {  	[tilespmem:s18], [sflag:$0x2] =	stream.indirect.gather [hbm4b:s1+s15], $0x80, s17, s15, $0xb8;
	[tilespmem:$0x1F400] =	vst v63  }
0x1f: {  	_ =	swait.ge [sflag:s19], $0x400  }
0x20: {  	[sflag:s19] =	ssyncset.done $0x0  }
0x21: {  	[sflag:s19] =	ssyncadd.s32 $0xFFFFFC00  }
0x22: {  	[hbm4b:s6+s4] =	stream.linear.scatter [tilespmem:s16], [sflag:$0x4], $0x6400, $0x38;
	[tilespmem:$0x1F400] =	vst v63  }
0x23: {  	_ = 	snop  }
0x24: {  	[tilespmem:s21], [sflag:$0x3] =	stream.indirect.gather [hbm4b:s1+s15], $0x80, s20, s15, $0xb8;
	[tilespmem:$0x1F400] =	vst v63  }
0x25: {  	_ =	swait.ge [sflag:s22], $0x400  }
0x26: {  	[sflag:s22] =	ssyncset.done $0x0  }
0x27: {  	s2 =	sadd.s32 $0xFFFFF380, s12;
	[sflag:s22] =	ssyncadd.s32 $0xFFFFFC00  }
0x28: {  	[hbm4b:s2+s4] =	stream.linear.scatter [tilespmem:s18], [sflag:$0x5], $0x6400, $0x38;
	[tilespmem:$0x1F400] =	vst v63  }
0x29: {  	_ =	swait.ge [sflag:s23], $0x6400  }
0x2a: {  	[sflag:s23] =	ssyncset.done $0x0  }
0x2b: {  	s3 =	simm.s32 $0x258;
	[sflag:s23] =	ssyncadd.s32 $0xFFFF9C00  }
0x2c: {  	[tilespmem:s16], [sflag:$0x1] =	stream.indirect.gather [hbm4b:s1+s15], $0x80, s3, s15, $0xb8;
	[tilespmem:$0x1F400] =	vst v63  }
0x2d: {  	_ =	swait.ge [sflag:s24], $0x400  }
0x2e: {  	[sflag:s24] =	ssyncset.done $0x0  }
0x2f: {  	[sflag:s24] =	ssyncadd.s32 $0xFFFFFC00  }
0x30: {  	[hbm4b:s12+s4] =	stream.linear.scatter [tilespmem:s21], [sflag:$0x6], $0x6400, $0x38;
	[tilespmem:$0x1F400] =	vst v63  }
0x31: {  	_ =	swait.ge [sflag:s25], $0x6400  }
0x32: {  	[sflag:s25] =	ssyncset.done $0x0  }
0x33: {  	s2 =	simm.s32 $0x320;
	[sflag:s25] =	ssyncadd.s32 $0xFFFF9C00  }
0x34: {  	[tilespmem:s18], [sflag:$0x2] =	stream.indirect.gather [hbm4b:s1+s15], $0x80, s2, s15, $0xb8;
	[tilespmem:$0x1F400] =	vst v63  }
0x35: {  	_ =	swait.ge [sflag:s19], $0x400  }
0x36: {  	[sflag:s19] =	ssyncset.done $0x0  }
0x37: {  	s3 =	sadd.s32 $0xC80, s12;
	[sflag:s19] =	ssyncadd.s32 $0xFFFFFC00  }
0x38: {  	[hbm4b:s3+s4] =	stream.linear.scatter [tilespmem:s16], [sflag:$0x4], $0x6400, $0x38;
	[tilespmem:$0x1F400] =	vst v63  }
0x39: {  	_ =	swait.ge [sflag:s26], $0x6400  }
0x3a: {  	s31 =	simm.s32 $0x960;
	[sflag:s26] =	ssyncset.done $0x0  }
0x3b: {  	s0 =	simm.s32 $0x3E8;
	s2 =	sadd.s32 $0x2580, s12;
	[sflag:s26] =	ssyncadd.s32 $0xFFFF9C00  }
.LBB2_2:
0x3c: {  	[tilespmem:s21], [sflag:$0x3] =	stream.indirect.gather [hbm4b:s1+s15], $0x80, s0, s15, $0xb8;
	[tilespmem:$0x1F400] =	vst v63  }
0x3d: {  	s0 =	smov.u32 s31  }
0x3e: {  	p0 =	sne.s32 s31, $0x17700;
	s31 =	sadd.s32 $0x960, s31;
	_ =	swait.ge [sflag:s22], $0x400  }
0x3f: {  	[sflag:s22] =	ssyncset.done $0x0  }
0x40: {  	s3 =	sadd.s32 $0xFFFFF380, s2;
	[sflag:s22] =	ssyncadd.s32 $0xFFFFFC00  }
0x41: {  	[hbm4b:s3+s4] =	stream.linear.scatter [tilespmem:s18], [sflag:$0x5], $0x6400, $0x38;
	[tilespmem:$0x1F400] =	vst v63  }
0x42: {  	_ =	swait.ge [sflag:s23], $0x6400  }
0x43: {  	s0 =	sshra.s32 s0, $0x2;
	[sflag:s23] =	ssyncset.done $0x0  }
0x44: {  	s3 =	sadd.s32 $0x258, s0;
	[sflag:s23] =	ssyncadd.s32 $0xFFFF9C00  }
0x45: {  	[tilespmem:s16], [sflag:$0x1] =	stream.indirect.gather [hbm4b:s1+s15], $0x80, s3, s15, $0xb8;
	[tilespmem:$0x1F400] =	vst v63  }
0x46: {  	_ =	swait.ge [sflag:s24], $0x400  }
0x47: {  	[sflag:s24] =	ssyncset.done $0x0  }
0x48: {  	[sflag:s24] =	ssyncadd.s32 $0xFFFFFC00  }
0x49: {  	[hbm4b:s2+s4] =	stream.linear.scatter [tilespmem:s21], [sflag:$0x6], $0x6400, $0x38;
	[tilespmem:$0x1F400] =	vst v63  }
0x4a: {  	_ =	swait.ge [sflag:s25], $0x6400  }
0x4b: {  	[sflag:s25] =	ssyncset.done $0x0  }
0x4c: {  	s3 =	sadd.s32 $0x320, s0;
	[sflag:s25] =	ssyncadd.s32 $0xFFFF9C00  }
0x4d: {  	[tilespmem:s18], [sflag:$0x2] =	stream.indirect.gather [hbm4b:s1+s15], $0x80, s3, s15, $0xb8;
	[tilespmem:$0x1F400] =	vst v63  }
0x4e: {  	_ =	swait.ge [sflag:s19], $0x400  }
0x4f: {  	[sflag:s19] =	ssyncset.done $0x0  }
.Ltmp0:
0x50: {  	s3 =	sadd.s32 $0xC80, s2;
	[sflag:s19] =	ssyncadd.s32 $0xFFFFFC00;
	(pc) =	sbr.rel @p0 .LBB2_2-.Ltmp0, $4  }
0x51: {  	[hbm4b:s3+s4] =	stream.linear.scatter [tilespmem:s16], [sflag:$0x4], $0x6400, $0x38;
	[tilespmem:$0x1F400] =	vst v63  }
0x52: {  	_ =	swait.ge [sflag:s26], $0x6400  }
0x53: {  	[sflag:s26] =	ssyncset.done $0x0  }
0x54: {  	s0 =	sadd.s32 $0x3E8, s0;
	s2 =	sadd.s32 $0x2580, s2;
	[sflag:s26] =	ssyncadd.s32 $0xFFFF9C00  }
0x55: {  	[tilespmem:s21], [sflag:$0x3] =	stream.indirect.gather [hbm4b:s1+s15], $0x80, s0, s15, $0xb8;
	[tilespmem:$0x1F400] =	vst v63  }
0x56: {  	_ =	swait.ge [sflag:s22], $0x400  }
0x57: {  	[sflag:s22] =	ssyncset.done $0x0  }
0x58: {  	[sflag:s22] =	ssyncadd.s32 $0xFFFFFC00  }
0x59: {  	[hbm4b:s7+s4] =	stream.linear.scatter [tilespmem:s18], [sflag:$0x5], $0x6400, $0x38;
	[tilespmem:$0x1F400] =	vst v63  }
0x5a: {  	_ =	swait.ge [sflag:s23], $0x6400  }
0x5b: {  	[sflag:s23] =	ssyncset.done $0x0  }
0x5c: {  	[sflag:s23] =	ssyncadd.s32 $0xFFFF9C00  }
0x5d: {  	[tilespmem:s16], [sflag:$0x1] =	stream.indirect.gather [hbm4b:s1+s15], $0x80, s28, s15, $0xb8;
	[tilespmem:$0x1F400] =	vst v63  }
0x5e: {  	_ =	swait.ge [sflag:s24], $0x400  }
0x5f: {  	[sflag:s24] =	ssyncset.done $0x0  }
0x60: {  	[sflag:s24] =	ssyncadd.s32 $0xFFFFFC00  }
0x61: {  	[hbm4b:s8+s4] =	stream.linear.scatter [tilespmem:s21], [sflag:$0x6], $0x6400, $0x38;
	[tilespmem:$0x1F400] =	vst v63  }
0x62: {  	_ =	swait.ge [sflag:s25], $0x6400  }
0x63: {  	[sflag:s25] =	ssyncset.done $0x0  }
0x64: {  	[sflag:s25] =	ssyncadd.s32 $0xFFFF9C00  }
0x65: {  	[tilespmem:s18], [sflag:$0x2] =	stream.indirect.gather [hbm4b:s1+s15], $0x80, s29, s15, $0xb8;
	[tilespmem:$0x1F400] =	vst v63  }
0x66: {  	_ =	swait.ge [sflag:s19], $0x400  }
0x67: {  	[sflag:s19] =	ssyncset.done $0x0  }
0x68: {  	[sflag:s19] =	ssyncadd.s32 $0xFFFFFC00  }
0x69: {  	[hbm4b:s9+s4] =	stream.linear.scatter [tilespmem:s16], [sflag:$0x4], $0x6400, $0x38;
	[tilespmem:$0x1F400] =	vst v63  }
0x6a: {  	_ =	swait.ge [sflag:s26], $0x6400  }
0x6b: {  	[sflag:s26] =	ssyncset.done $0x0  }
0x6c: {  	[sflag:s26] =	ssyncadd.s32 $0xFFFF9C00  }
0x6d: {  	_ =	swait.ge [sflag:s22], $0x400  }
0x6e: {  	[sflag:s22] =	ssyncset.done $0x0  }
0x6f: {  	s30 =	sadd.s32 $0x1, s30;
	[sflag:s22] =	ssyncadd.s32 $0xFFFFFC00  }
0x70: {  	[hbm4b:s10+s4] =	stream.linear.scatter [tilespmem:s18], [sflag:$0x5], $0x6400, $0x38;
	[tilespmem:$0x1F400] =	vst v63  }
0x71: {  	p0 =	sne.s32 s30, s11;
	_ =	swait.ge [sflag:s23], $0x6400  }
.Ltmp1:
0x72: {  	[sflag:s23] =	ssyncset.done $0x0;
	(pc) =	sbr.rel @p0 .LBB2_1-.Ltmp1, $4  }
0x73: {  	[sflag:s23] =	ssyncadd.s32 $0xFFFF9C00  }
0x74: {  	_ =	swait.ge [sflag:s25], $0x6400  }
0x75: {  	[sflag:s25] =	ssyncset.done $0x0  }
0x76: {  	[sflag:s25] =	ssyncadd.s32 $0xFFFF9C00  }
0x77: {  	_ =	sfence.sel $0x180000  }
0x78: {  	[bflag:$0x0] =	sbarrier.arrive $0xFFFF  }
0x79: {  	_ =	strace $0x90000047  }
0x7a: {  	s0 =	stileid.u32;
	[bflag:$0x2] =	sbarrier.arrive $0xFFFF  }
0x7b: {  	p0 =	sne.s32 s0, $0x0;
	s0 =	rddreg [dreg:$0x4]  }
0x7c: {  	s0 =	sadd.s32 @!p0 $0x100000, s0  }
0x7d: {  	[sflag:s0] =	ssyncadd.tile.s32 @!p0 $0x1;
	_ =	shalt  }
.Lfunc_end2:
_tile_overlayer_lowered:
.L_overlay_start_2:
0x7e: {  	(tag) =	ssettag $0x2  }
0x7f: {  	s0 =	rddreg [dreg:$0x0];
	s2 =	stileid.u32  }
0x80: {  	s1 =	rddreg [dreg:$0x1];
	p0 =	sne.s32 s2, $0x0  }
0x81: {  	s3 =	rddreg [dreg:$0x2];
	[bflag:$0x3] =	sbarrier.arrive $0xFFFF;
	s2 =	simm.s32 @!p0 $0x1C07  }
0x82: {  	[timem:s3], [sflag:s2] =	dma.local @!p0 [hbm:s0], s1  }
0x83: {  	s0 =	simm.s32 @!p0 $0x7  }
0x84: {  	_ =	swait.ge @!p0 [sflag:s0], s1  }
0x85: {  	s1 =	ssub.s32 @!p0 $0x0, s1;
	[sflag:s0] =	ssyncset.done @!p0 $0x0  }
0x86: {  	[sflag:s0] =	ssyncadd.s32 @!p0 s1  }
0x87: {  	[bflag:$0x3] =	sbarrier.arrive $0xFFFF  }
0x88: {  	_ =	shalt  }

</sc_bundles>
